<compile_context>
chip_gen: v7x
topology: tpu7x:2x2x1
jax: 0.10.2.dev20260603
libtpu: 0.0.44.dev20260713+nightly
codegen_flags: <defaults>
</compile_context>

<pallas_src>
import functools

import jax
import jax.numpy as jnp
from jax import lax
from jax.experimental import pallas as pl
from jax.experimental.pallas import tpu as pltpu
from jax.experimental.pallas import tpu_sc as plsc

N, P, NBR, D_IN, D_OUT = 1024, 1024, 8, 256, 256

NC, NS, L = 2, 16, 16
NW = NC * NS
SPW = N // NW
ROWS = SPW * NBR
CHUNK = 128
NCHUNK = ROWS // CHUNK


def _mm_kernel(x_ref, w_ref, b_ref, y_ref):
    y_ref[...] = (
        lax.dot_general(
            x_ref[...], w_ref[...],
            (((1,), (1,)), ((), ())),
            preferred_element_type=jnp.float32,
            precision=lax.Precision.HIGHEST,
        )
        + b_ref[...]
    )


def _sc_body(idx_hbm, y_hbm, out_hbm, idx_v, rows_v, sem):
    wid = lax.axis_index("s") * NC + lax.axis_index("c")
    pltpu.sync_copy(idx_hbm.at[pl.ds(wid * NCHUNK, NCHUNK)], idx_v)
    cps = [
        pltpu.async_copy(
            y_hbm.at[idx_v.at[c]], rows_v.at[pl.ds(c * CHUNK, CHUNK)], sem
        )
        for c in range(NCHUNK)
    ]
    for cp in cps:
        cp.wait()
    pltpu.sync_copy(rows_v, out_hbm.at[pl.ds(wid * ROWS, ROWS)])


def kernel(X_sites, X_NSs, N_sites, W, b):
    y = pl.pallas_call(
        _mm_kernel,
        out_shape=jax.ShapeDtypeStruct((N, D_OUT), jnp.float32),
    )(X_sites, W, b.reshape(1, D_OUT))

    x2d = X_NSs.reshape(N * P, NBR)
    diag = lax.slice(x2d, (0, 0), ((N - 1) * (P + 1) + 1, NBR), (P + 1, 1))
    idx = diag.reshape(N * NBR // 128, 128)

    mesh = plsc.VectorSubcoreMesh(core_axis_name="c", subcore_axis_name="s")
    out = pl.kernel(
        _sc_body,
        mesh=mesh,
        out_type=jax.ShapeDtypeStruct((N * NBR, D_OUT), jnp.float32),
        scratch_types=[
            pltpu.VMEM((NCHUNK, CHUNK), jnp.int32),
            pltpu.VMEM((ROWS, D_OUT), jnp.float32),
            pltpu.SemaphoreType.DMA,
        ],
    )(idx, y)
    return out.reshape(N, NBR, D_OUT)

# --- scband reference (transcript-rebuilt; emitter-appended) ---
"""Pipeline reference for scband-lcnnconvolution-71451075936922 (READ-ONLY COPY).

The authoritative reference and input builder live on the scoring server;
editing this copy changes nothing except your own understanding.
"""

import jax, jax.numpy as jnp
import numpy as np


def setup_inputs(seed: int = 0) -> dict:
    key = jax.random.key(seed)
    k1, k2, k3, k4 = jax.random.split(key, 4)
    N, P, nbr, d_in, d_out = 1024, 1024, 8, 256, 256
    X_sites = jax.random.normal(k1, (N, d_in), dtype=jnp.float32)
    X_NSs = jax.random.randint(k2, (N, P, nbr), 0, N, dtype=jnp.int32)
    N_sites = N
    # learned params of nn.Linear(input_feature=256, output_feature=256)
    bound = 1.0 / np.sqrt(d_in)
    W = jax.random.uniform(k3, (d_out, d_in), minval=-bound, maxval=bound, dtype=jnp.float32)
    b = jax.random.uniform(k4, (d_out,), minval=-bound, maxval=bound, dtype=jnp.float32)
    return {"X_sites": X_sites, "X_NSs": X_NSs, "N_sites": N_sites, "W": W, "b": b}


def reference(X_sites, X_NSs, N_sites, W, b):
    # Torch loop: for i in range(len(X_NSs)):
    #   X_NSs_i = X_NSs[i]; X_site_i = X_sites[X_NSs_i[i]].view(nbr, -1)
    #   X_1 = Linear(X_site_i)
    # i.e. per-site it gathers the diagonal index row X_NSs[i, i] (shape [nbr]),
    # gathers node features, and applies the linear layer on the last dim.
    # Vectorized equivalently over all i (the loop just overwrites X_1; we
    # return all per-iteration results stacked).
    N = X_NSs.shape[0]
    ar = jnp.arange(N)
    diag_idx = X_NSs[ar, ar]                 # (N, nbr)
    X_site = jnp.take(X_sites, diag_idx, axis=0)  # (N, nbr, d_in) gather
    X_1 = jnp.einsum('nkd,od->nko', X_site, W) + b  # (N, nbr, d_out)
    return X_1

if __name__ == "__main__":
    import jax
    _d = setup_inputs()
    print(jax.jit(kernel)(*tuple(_d.values())))

</pallas_src>

<mosaic_0001>
#map = affine_map<(d0, d1) -> (0, 0)>
module attributes {stable_mosaic.version = 14 : i64} {
  func.func @_sc_body(%arg0: i32, %arg1: i32, %arg2: memref<64x128xi32, #tpu.memory_space<hbm>>, %arg3: memref<1024x256xf32, #tpu.memory_space<hbm>>, %arg4: memref<8192x256xf32, #tpu.memory_space<hbm>>, %arg5: memref<2x128xi32, #tpu.memory_space<vmem>>, %arg6: memref<256x256xf32, #tpu.memory_space<vmem>>, %arg7: memref<!tpu.dma_semaphore, #tpu.memory_space<semaphore_mem>>) attributes {dimension_semantics = [#tpu.dimension_semantics<core_parallel>, #tpu.dimension_semantics<subcore_parallel>], iteration_bounds = array<i64: 2, 16>, scalar_prefetch = 0 : i64, scratch_operands = 3 : i64, tpu.core_type = #tpu.core_type<sc_vector_subcore>, window_params = [{transform_indices = #map}, {transform_indices = #map}, {transform_indices = #map}]} {
    %mul3A = arith.constant 2 : i32
    %mul3A_0 = arith.muli %arg1, %mul3A : i32
    %add3A = arith.addi %mul3A_0, %arg0 : i32
    %mul3A_1 = arith.constant 2 : i32
    %mul3A_2 = arith.muli %add3A, %mul3A_1 : i32
    "tpu.region"() ({
      %run_scoped3A = tpu.sem_alloc : memref<!tpu.dma_semaphore, #tpu.memory_space<semaphore_mem>>
      %dma_start3A_43 = arith.constant 0 : i32
      %dma_start3A_44 = tpu.memref_slice %arg2[%mul3A_2, %dma_start3A_43] : memref<64x128xi32, #tpu.memory_space<hbm>> -> memref<2x128xi32, #tpu.memory_space<hbm>>
      %dma_start3A_45 = arith.constant 0 : i32
      %dma_start3A_46 = tpu.memref_slice %arg2[%mul3A_2, %dma_start3A_45] : memref<64x128xi32, #tpu.memory_space<hbm>> -> memref<2x128xi32, #tpu.memory_space<hbm>>
      tpu.enqueue_dma source(%dma_start3A_46 : memref<2x128xi32, #tpu.memory_space<hbm>>) target(%arg5 : memref<2x128xi32, #tpu.memory_space<vmem>>) target_semaphore(%run_scoped3A : memref<!tpu.dma_semaphore, #tpu.memory_space<semaphore_mem>>)
      %dma_wait3A_47 = arith.constant 0 : i32
      %dma_wait3A_48 = tpu.memref_slice %arg2[%mul3A_2, %dma_wait3A_47] : memref<64x128xi32, #tpu.memory_space<hbm>> -> memref<2x128xi32, #tpu.memory_space<hbm>>
      %dma_wait3A_49 = arith.constant 0 : i32
      %dma_wait3A_50 = tpu.memref_slice %arg2[%mul3A_2, %dma_wait3A_49] : memref<64x128xi32, #tpu.memory_space<hbm>> -> memref<2x128xi32, #tpu.memory_space<hbm>>
      tpu.wait_dma2 semaphore(%run_scoped3A : memref<!tpu.dma_semaphore, #tpu.memory_space<semaphore_mem>>) src(%dma_wait3A_50 : memref<2x128xi32, #tpu.memory_space<hbm>>) dst(%arg5 : memref<2x128xi32, #tpu.memory_space<vmem>>)
      tpu.yield
    }) : () -> ()
    %dma_start3A = arith.constant 0 : i32
    %dma_start3A_3 = arith.constant 0 : i32
    %dma_start3A_4 = arith.constant 0 : i32
    %dma_start3A_5 = tpu.memref_slice %arg6[%dma_start3A_3, %dma_start3A_4] : memref<256x256xf32, #tpu.memory_space<vmem>> -> memref<128x256xf32, #tpu.memory_space<vmem>>
    %dma_start3A_6 = arith.constant 0 : i32
    %dma_start3A_7 = tpu.memref_slice %arg5[%dma_start3A, %dma_start3A_6] : memref<2x128xi32, #tpu.memory_space<vmem>> -> memref<1x128xi32, #tpu.memory_space<vmem>>
    %dma_start3A_8 = tpu.memref_squeeze %dma_start3A_7 : memref<1x128xi32, #tpu.memory_space<vmem>> -> memref<128xi32, #tpu.memory_space<vmem>>
    %dma_start3A_9 = arith.constant 0 : i32
    %dma_start3A_10 = arith.constant 0 : i32
    %dma_start3A_11 = tpu.memref_slice %arg3[%dma_start3A_9, %dma_start3A_10] : memref<1024x256xf32, #tpu.memory_space<hbm>> -> memref<1024x256xf32, #tpu.memory_space<hbm>>
    tpu.enqueue_indirect_dma source(%dma_start3A_11 : memref<1024x256xf32, #tpu.memory_space<hbm>>) target(%dma_start3A_5 : memref<128x256xf32, #tpu.memory_space<vmem>>) offsets(%dma_start3A_8 : memref<128xi32, #tpu.memory_space<vmem>>) semaphore(%arg7 : memref<!tpu.dma_semaphore, #tpu.memory_space<semaphore_mem>>)
    %dma_start3A_12 = arith.constant 1 : i32
    %dma_start3A_13 = arith.constant 128 : i32
    %dma_start3A_14 = arith.constant 0 : i32
    %dma_start3A_15 = tpu.memref_slice %arg6[%dma_start3A_13, %dma_start3A_14] : memref<256x256xf32, #tpu.memory_space<vmem>> -> memref<128x256xf32, #tpu.memory_space<vmem>>
    %dma_start3A_16 = arith.constant 0 : i32
    %dma_start3A_17 = tpu.memref_slice %arg5[%dma_start3A_12, %dma_start3A_16] : memref<2x128xi32, #tpu.memory_space<vmem>> -> memref<1x128xi32, #tpu.memory_space<vmem>>
    %dma_start3A_18 = tpu.memref_squeeze %dma_start3A_17 : memref<1x128xi32, #tpu.memory_space<vmem>> -> memref<128xi32, #tpu.memory_space<vmem>>
    %dma_start3A_19 = arith.constant 0 : i32
    %dma_start3A_20 = arith.constant 0 : i32
    %dma_start3A_21 = tpu.memref_slice %arg3[%dma_start3A_19, %dma_start3A_20] : memref<1024x256xf32, #tpu.memory_space<hbm>> -> memref<1024x256xf32, #tpu.memory_space<hbm>>
    tpu.enqueue_indirect_dma source(%dma_start3A_21 : memref<1024x256xf32, #tpu.memory_space<hbm>>) target(%dma_start3A_15 : memref<128x256xf32, #tpu.memory_space<vmem>>) offsets(%dma_start3A_18 : memref<128xi32, #tpu.memory_space<vmem>>) semaphore(%arg7 : memref<!tpu.dma_semaphore, #tpu.memory_space<semaphore_mem>>)
    %dma_wait3A = arith.constant 0 : i32
    %dma_wait3A_22 = arith.constant 0 : i32
    %dma_wait3A_23 = arith.constant 0 : i32
    %dma_wait3A_24 = tpu.memref_slice %arg6[%dma_wait3A_22, %dma_wait3A_23] : memref<256x256xf32, #tpu.memory_space<vmem>> -> memref<128x256xf32, #tpu.memory_space<vmem>>
    %dma_wait3A_25 = arith.constant 0 : i32
    %dma_wait3A_26 = tpu.memref_slice %arg5[%dma_wait3A, %dma_wait3A_25] : memref<2x128xi32, #tpu.memory_space<vmem>> -> memref<1x128xi32, #tpu.memory_space<vmem>>
    %dma_wait3A_27 = tpu.memref_squeeze %dma_wait3A_26 : memref<1x128xi32, #tpu.memory_space<vmem>> -> memref<128xi32, #tpu.memory_space<vmem>>
    %dma_wait3A_28 = arith.constant 0 : i32
    %dma_wait3A_29 = arith.constant 0 : i32
    %dma_wait3A_30 = tpu.memref_slice %arg3[%dma_wait3A_28, %dma_wait3A_29] : memref<1024x256xf32, #tpu.memory_space<hbm>> -> memref<1024x256xf32, #tpu.memory_space<hbm>>
    tpu.wait_indirect_dma semaphore(%arg7 : memref<!tpu.dma_semaphore, #tpu.memory_space<semaphore_mem>>) src(%dma_wait3A_30 : memref<1024x256xf32, #tpu.memory_space<hbm>>) dst(%dma_wait3A_24 : memref<128x256xf32, #tpu.memory_space<vmem>>)
    %dma_wait3A_31 = arith.constant 1 : i32
    %dma_wait3A_32 = arith.constant 128 : i32
    %dma_wait3A_33 = arith.constant 0 : i32
    %dma_wait3A_34 = tpu.memref_slice %arg6[%dma_wait3A_32, %dma_wait3A_33] : memref<256x256xf32, #tpu.memory_space<vmem>> -> memref<128x256xf32, #tpu.memory_space<vmem>>
    %dma_wait3A_35 = arith.constant 0 : i32
    %dma_wait3A_36 = tpu.memref_slice %arg5[%dma_wait3A_31, %dma_wait3A_35] : memref<2x128xi32, #tpu.memory_space<vmem>> -> memref<1x128xi32, #tpu.memory_space<vmem>>
    %dma_wait3A_37 = tpu.memref_squeeze %dma_wait3A_36 : memref<1x128xi32, #tpu.memory_space<vmem>> -> memref<128xi32, #tpu.memory_space<vmem>>
    %dma_wait3A_38 = arith.constant 0 : i32
    %dma_wait3A_39 = arith.constant 0 : i32
    %dma_wait3A_40 = tpu.memref_slice %arg3[%dma_wait3A_38, %dma_wait3A_39] : memref<1024x256xf32, #tpu.memory_space<hbm>> -> memref<1024x256xf32, #tpu.memory_space<hbm>>
    tpu.wait_indirect_dma semaphore(%arg7 : memref<!tpu.dma_semaphore, #tpu.memory_space<semaphore_mem>>) src(%dma_wait3A_40 : memref<1024x256xf32, #tpu.memory_space<hbm>>) dst(%dma_wait3A_34 : memref<128x256xf32, #tpu.memory_space<vmem>>)
    %mul3A_41 = arith.constant 256 : i32
    %mul3A_42 = arith.muli %add3A, %mul3A_41 : i32
    "tpu.region"() ({
      %run_scoped3A = tpu.sem_alloc : memref<!tpu.dma_semaphore, #tpu.memory_space<semaphore_mem>>
      %dma_start3A_43 = arith.constant 0 : i32
      %dma_start3A_44 = tpu.memref_slice %arg4[%mul3A_42, %dma_start3A_43] : memref<8192x256xf32, #tpu.memory_space<hbm>> -> memref<256x256xf32, #tpu.memory_space<hbm>>
      %dma_start3A_45 = arith.constant 0 : i32
      %dma_start3A_46 = tpu.memref_slice %arg4[%mul3A_42, %dma_start3A_45] : memref<8192x256xf32, #tpu.memory_space<hbm>> -> memref<256x256xf32, #tpu.memory_space<hbm>>
      tpu.enqueue_dma source(%arg6 : memref<256x256xf32, #tpu.memory_space<vmem>>) target(%dma_start3A_46 : memref<256x256xf32, #tpu.memory_space<hbm>>) target_semaphore(%run_scoped3A : memref<!tpu.dma_semaphore, #tpu.memory_space<semaphore_mem>>)
      %dma_wait3A_47 = arith.constant 0 : i32
      %dma_wait3A_48 = tpu.memref_slice %arg4[%mul3A_42, %dma_wait3A_47] : memref<8192x256xf32, #tpu.memory_space<hbm>> -> memref<256x256xf32, #tpu.memory_space<hbm>>
      %dma_wait3A_49 = arith.constant 0 : i32
      %dma_wait3A_50 = tpu.memref_slice %arg4[%mul3A_42, %dma_wait3A_49] : memref<8192x256xf32, #tpu.memory_space<hbm>> -> memref<256x256xf32, #tpu.memory_space<hbm>>
      tpu.wait_dma2 semaphore(%run_scoped3A : memref<!tpu.dma_semaphore, #tpu.memory_space<semaphore_mem>>) src(%arg6 : memref<256x256xf32, #tpu.memory_space<vmem>>) dst(%dma_wait3A_50 : memref<256x256xf32, #tpu.memory_space<hbm>>)
      tpu.yield
    }) : () -> ()
    return
  }
}

module attributes {stable_mosaic.version = 14 : i64} {
  func.func @_mm_kernel(%arg0: memref<1024x256xf32, #tpu.memory_space<vmem>>, %arg1: memref<256x256xf32, #tpu.memory_space<vmem>>, %arg2: memref<1x256xf32, #tpu.memory_space<vmem>>, %arg3: memref<1024x256xf32, #tpu.memory_space<vmem>>) attributes {dimension_semantics = [], scalar_prefetch = 0 : i64, scratch_operands = 0 : i64, tpu.core_type = #tpu.core_type<tc>} {
    %get3A = arith.constant 0 : index
    %get3A_0 = arith.constant 0 : index
    %get3A_1 = vector.load %arg0[%get3A, %get3A_0] : memref<1024x256xf32, #tpu.memory_space<vmem>>, vector<1024x256xf32>
    %get3A_2 = arith.constant 0 : index
    %get3A_3 = arith.constant 0 : index
    %get3A_4 = vector.load %arg1[%get3A_2, %get3A_3] : memref<256x256xf32, #tpu.memory_space<vmem>>, vector<256x256xf32>
    %dot_general3A = arith.constant dense<0.000000e+00> : vector<1024x256xf32>
    %dot_general3A_5 = tpu.matmul %get3A_1, %get3A_4, %dot_general3A {dimension_numbers = #tpu.dot_dimension_numbers<[1], [1], [0], [0], [0, 0, 1, 0], [], []>, precision = #tpu.contract_precision<fp32>, transpose_lhs_hint = false} : vector<1024x256xf32>, vector<256x256xf32>, vector<1024x256xf32> -> vector<1024x256xf32>
    %get3A_6 = arith.constant 0 : index
    %get3A_7 = arith.constant 0 : index
    %get3A_8 = vector.load %arg2[%get3A_6, %get3A_7] : memref<1x256xf32, #tpu.memory_space<vmem>>, vector<1x256xf32>
    %add3A = vector.broadcast %get3A_8 : vector<1x256xf32> to vector<1024x256xf32>
    %add3A_9 = arith.addf %dot_general3A_5, %add3A : vector<1024x256xf32>
    %swap3A = arith.constant 0 : index
    %swap3A_10 = arith.constant 0 : index
    %swap3A_11 = vector.load %arg3[%swap3A, %swap3A_10] : memref<1024x256xf32, #tpu.memory_space<vmem>>, vector<1024x256xf32>
    tpu.vector_store %arg3[%swap3A, %swap3A_10], %add3A_9 {strides = array<i32>} : memref<1024x256xf32, #tpu.memory_space<vmem>>, vector<1024x256xf32>,
    return
  }
}

</mosaic_0001>

<sc_bundles>
// kernel: kernel.4.cloned.1.call-start
scs
__scs_entry_jumppad:
0x0: {  	(pc) =	sbr.rel $0x88, $3  }
0x1: {  	(tag) =	ssettag $0x0;
	lr =	simm.s32 $0x1  }
0x2: {  	[smem:$0x3F9D] =	sst lr;
	_ =	strace $0xD0000000  }
0x3: {  	_ = 	snop  }
0x4: {  	_ = 	snop  }
0x5: {  	_ = 	snop  }
0x6: {  	_ = 	snop  }
0x7: {  	_ = 	snop  }
__scs_overlays_trampoline_lowered:
0x8: {  	[smem:$0x3FAC] =	sst s0  }
0x9: {  	[smem:$0x3FAD] =	sst s1  }
0xa: {  	[smem:$0x3FAE] =	sst s2  }
0xb: {  	[smem:$0x3FAF] =	sst s3  }
0xc: {  	[smem:$0x3FB0] =	sst s4  }
0xd: {  	[smem:$0x3FB1] =	sst s5  }
0xe: {  	[smem:$0x3FB2] =	sst s6  }
0xf: {  	[smem:$0x3FB3] =	sst s7  }
0x10: {  	[smem:$0x3FB4] =	sst s8  }
0x11: {  	[smem:$0x3FB5] =	sst s9;
	s0 =	simm.s32 @!p0 $0x0  }
0x12: {  	s1 =	sld [smem:$0x3F9B];
	s0 =	simm.s32 @p0 $0x1  }
0x13: {  	[smem:$0x3FB6] =	sst s0;
	s0 =	simm.s32 @!p1 $0x0  }
0x14: {  	s2 =	sld [smem:$0x3F9A];
	s0 =	simm.s32 @p1 $0x1  }
0x15: {  	[smem:$0x3FB7] =	sst s0;
	s0 =	simm.s32 @!p2 $0x0  }
0x16: {  	s3 =	sld [smem:$0x3FDB];
	s0 =	simm.s32 @p2 $0x1  }
0x17: {  	s4 =	simm.s32 $0x1BF5;
	[smem:$0x3FB9] =	sst s0  }
0x18: {  	s0 =	sld [smem:$0x3F9C];
	_ =	swait.ge [sflag:s4], $0x0  }
0x19: {  	s7 =	sld [smem:$0x3F9D]  }
0x1a: {  	s8 =	sadd.s32 $0xFFFFE003, lr  }
0x1b: {  	s9 =	sadd.s32 $0xFFFFFEF7, lr;
	s5 =	simm.s32 $0xFFFFFFFF;
	p2 =	slt.u32 s8, $0xFFFFF086  }
0x1c: {  	p1 =	slt.u32 s9, $0xF7A;
	s5 =	simm.s32 @!p2 $0x0  }
0x1d: {  	s5 =	simm.s32 @p1 $0x1;
	p0 =	seq.s32 s7, s2  }
0x1e: {  	s7 =	smul.u32 @!p0 $0xF7A, s2;
	p2 =	seq.s32 @!p0 s5, $0x0  }
0x1f: {  	s9 =	smul.u32 $0xF7A, s1;
	s8 =	simm.s32 @!p0 $0x1BF5;
	p2 =	por !p2, p0  }
0x20: {  	[sflag:s8] =	ssyncset.s32 @!p0 $0xFFFFF086;
	s6 =	sadd.s32 @!p0 s3, s7;
	s7 =	simm.s32 @!p0 $0x108  }
0x21: {  	s3 =	sadd.s32 s3, s9;
	s6 =	sadd.s32 @!p0 $0x88, s6;
	s7 =	simm.s32 @p2 $0x1082  }
0x22: {  	[simem:s7], [sflag:s8] =	dma.local @!p0 [hbm:s6], $0xF7A  }
0x23: {  	s9 =	sor.u32 $0xD0000000, s2;
	s6 =	simm.s32 $0x108;
	_ =	swait.ge @!p0 [sflag:s8], $0x0  }
0x24: {  	s3 =	sadd.s32 $0x88, s3;
	s6 =	simm.s32 @!p1 $0x1082;
	[sflag:s4] =	ssyncset.s32 $0xFFFFF086  }
0x25: {  	[simem:s6], [sflag:s4] =	dma.local [hbm:s3], $0xF7A  }
0x26: {  	[smem:$0x3F9D] =	sst s1;
	(tag) =	ssettag s2;
	_ =	strace s9  }
0x27: {  	s1 =	sld [smem:$0x3FAD]  }
0x28: {  	s2 =	sld [smem:$0x3FAE]  }
0x29: {  	s4 =	sld [smem:$0x3FB0]  }
0x2a: {  	p0 =	seq.s32 s5, $0x0;
	s5 =	sld [smem:$0x3FB1]  }
0x2b: {  	s6 =	sld [smem:$0x3FB2]  }
0x2c: {  	s7 =	sld [smem:$0x3FB3]  }
0x2d: {  	s3 =	simm.s32 $0x108;
	s8 =	sld [smem:$0x3FB4]  }
0x2e: {  	s3 =	simm.s32 @!p0 $0x1082;
	s9 =	sld [smem:$0x3FB5]  }
0x2f: {  	lr =	sadd.s32 s0, s3;
	s0 =	sld [smem:$0x3FAC]  }
0x30: {  	s3 =	sld [smem:$0x3FAF]  }
0x31: {  	[smem:$0x3FB8] =	sst s10  }
0x32: {  	s10 =	sld [smem:$0x3FB6];
	_ =	sdelay $0x3  }
0x33: {  	p0 =	seq.s32 s10, $0x1;
	s10 =	sld [smem:$0x3FB8];
	_ =	sdelay $0x3  }
0x34: {  	[smem:$0x3FB8] =	sst s10  }
0x35: {  	s10 =	sld [smem:$0x3FB7];
	_ =	sdelay $0x3  }
0x36: {  	p1 =	seq.s32 s10, $0x1;
	s10 =	sld [smem:$0x3FB8];
	_ =	sdelay $0x3  }
0x37: {  	[smem:$0x3FB8] =	sst s10  }
0x38: {  	s10 =	sld [smem:$0x3FB9]  }
0x39: {  	_ = 	snop;
	(pc) =	sbr.ind lr, $3  }
0x3a: {  	_ = 	snop  }
0x3b: {  	_ = 	snop  }
0x3c: {  	p2 =	seq.s32 s10, $0x1;
	s10 =	sld [smem:$0x3FB8]  }
0x3d: {  	_ =	shalt  }
0x3e: {  	_ =	shalt  }
0x3f: {  	_ =	shalt  }
0x40: {  	_ =	shalt  }
0x41: {  	_ =	shalt  }
0x42: {  	_ =	shalt  }
0x43: {  	_ =	shalt  }
0x44: {  	_ =	shalt  }
0x45: {  	_ =	shalt  }
0x46: {  	_ =	shalt  }
0x47: {  	_ =	shalt  }
0x48: {  	_ =	shalt  }
0x49: {  	_ =	shalt  }
0x4a: {  	_ =	shalt  }
0x4b: {  	_ =	shalt  }
0x4c: {  	_ =	shalt  }
0x4d: {  	_ =	shalt  }
0x4e: {  	_ =	shalt  }
0x4f: {  	_ =	shalt  }
0x50: {  	_ =	shalt  }
0x51: {  	_ =	shalt  }
0x52: {  	_ =	shalt  }
0x53: {  	_ =	shalt  }
0x54: {  	_ =	shalt  }
0x55: {  	_ =	shalt  }
0x56: {  	_ =	shalt  }
0x57: {  	_ =	shalt  }
0x58: {  	_ =	shalt  }
0x59: {  	_ =	shalt  }
0x5a: {  	_ =	shalt  }
0x5b: {  	_ =	shalt  }
0x5c: {  	_ =	shalt  }
0x5d: {  	_ =	shalt  }
0x5e: {  	_ =	shalt  }
0x5f: {  	_ =	shalt  }
0x60: {  	_ =	shalt  }
0x61: {  	_ =	shalt  }
0x62: {  	_ =	shalt  }
0x63: {  	_ =	shalt  }
0x64: {  	_ =	shalt  }
0x65: {  	_ =	shalt  }
0x66: {  	_ =	shalt  }
0x67: {  	_ =	shalt  }
0x68: {  	_ =	shalt  }
0x69: {  	_ =	shalt  }
0x6a: {  	_ =	shalt  }
0x6b: {  	_ =	shalt  }
0x6c: {  	_ =	shalt  }
0x6d: {  	_ =	shalt  }
0x6e: {  	_ =	shalt  }
0x6f: {  	_ =	shalt  }
0x70: {  	_ =	shalt  }
0x71: {  	_ =	shalt  }
0x72: {  	_ =	shalt  }
0x73: {  	_ =	shalt  }
0x74: {  	_ =	shalt  }
0x75: {  	_ =	shalt  }
0x76: {  	_ =	shalt  }
0x77: {  	_ =	shalt  }
0x78: {  	_ =	shalt  }
0x79: {  	_ =	shalt  }
0x7a: {  	_ =	shalt  }
0x7b: {  	_ =	shalt  }
0x7c: {  	_ =	shalt  }
0x7d: {  	_ =	shalt  }
0x7e: {  	_ =	shalt  }
0x7f: {  	_ =	shalt  }
0x80: {  	_ =	shalt  }
0x81: {  	_ =	shalt  }
0x82: {  	_ =	shalt  }
0x83: {  	_ =	shalt  }
0x84: {  	_ =	shalt  }
0x85: {  	_ =	shalt  }
0x86: {  	_ =	shalt  }
0x87: {  	_ =	shalt  }
.Lfunc_end0:
.L_simem_size_0:
called_computation_lowered:
.L_overlay_start_0:
0x88: {  	s2 =	sld [smem:$0x3FD9]  }
0x89: {  	s3 =	sld [smem:$0x3FFE];
	_ =	sdelay $0x1  }
0x8a: {  	s1 =	srdreg.scid  }
0x8b: {  	s0 =	sand.u32 $0x1, s1  }
0x8c: {  	s17 =	sshll.u32 s0, $0xA;
	s2 =	sadd.s32 s3, s2  }
0x8d: {  	s2 =	sadd.s32 s2, s17  }
0x8e: {  	[smem:$0x3FC4] =	sst s2  }
0x8f: {  	_ = 	snop  }
0x90: {  	s2 =	sld [smem:$0x3FD0];
	(tm) =	ssettm $0x1  }
0x91: {  	s18 =	sld [smem:$0x3FFB];
	_ =	sdelay $0x3  }
0x92: {  	_ =	strace s18  }
0x93: {  	s3 =	sld [smem:$0x3FFC];
	_ =	sdelay $0x3  }
0x94: {  	_ =	strace s3  }
0x95: {  	s3 =	sld [smem:$0x3FFD];
	_ =	sdelay $0x3  }
0x96: {  	_ =	strace s3  }
0x97: {  	_ =	strace $0x8FFFFFFF  }
0x98: {  	s19 =	sld [smem:$0x3FDB];
	_ =	sdelay $0x1  }
0x99: {  	s4 =	simm.s32 $_scs_section_size  }
0x9a: {  	s5 =	simm.s32 $_size__tile_overlayer_lowered;
	s6 =	simm.s32 $_tile_overlayer_lowered  }
0x9b: {  	s22 =	simm.s32 $0x1BFF;
	s21 =	sshll.u32 s6, $0x1;
	s3 =	sadd.s32 s4, s19  }
0x9c: {  	s7 =	simm.s32 $0x0;
	s20 =	sshll.u32 s5, $0x1;
	s5 =	sadd.s32 s21, s3  }
0x9d: {  	[timem:s7], [sflag:s22] =	dma.local [hbm:s5], s20  }
0x9e: {  	_ =	swait.ge [sflag:s22], s20  }
0x9f: {  	s4 =	ssub.s32 $0x0, s20;
	[sflag:s22] =	ssyncset.done $0x0  }
0xa0: {  	[sflag:s22] =	ssyncadd.s32 s4;
	_ =	sdelay $0x1  }
0xa1: {  	s23 =	simm.s32 $0x1B8B  }
0xa2: {  	_ =	swait.ge [sflag:s23], $0x1  }
0xa3: {  	[sflag:s23] =	ssyncset.done $0x0  }
0xa4: {  	s25 =	simm.s32 $0x1B8E;
	s24 =	sld [smem:$0x3FFE];
	[sflag:s23] =	ssyncadd.s32 $0xFFFFFFFF  }
0xa5: {  	s26 =	simm.s32 $execute0_lowered;
	[smem:$0x3FD2] =	sst s25  }
0xa6: {  	s5 =	sshll.u32 s26, $0x1;
	_ =	strace $0x80000046;
	[dreg:$0x1] =	wrdreg $0xFFFFFFFF  }
0xa7: {  	s28 =	simm.s32 $_size_execute0_lowered;
	s3 =	sadd.s32 s3, s5;
	[dreg:$0x0] =	wrdreg $0x0  }
0xa8: {  	s5 =	sshll.u32 s28, $0x1;
	[dreg:$0x2] =	wrdreg s3  }
0xa9: {  	[dreg:$0x3] =	wrdreg s5  }
0xaa: {  	[dreg:$0x4] =	wrdreg $0xC0  }
0xab: {  	_ =	task [dreg:s7], $0x5FFFF  }
0xac: {  	[dreg:$0x1] =	wrdreg $0xFFFFFFFF  }
0xad: {  	[dreg:$0x0] =	wrdreg $0x60  }
0xae: {  	[dreg:$0x2] =	wrdreg s24  }
0xaf: {  	[dreg:$0x3] =	wrdreg s2  }
0xb0: {  	[dreg:$0x4] =	wrdreg $0x9  }
0xb1: {  	_ =	task.clear_ibuf [dreg:s7], $0x5FFFF;
	_ =	strace $0x90000046  }
0xb2: {  	s29 =	simm.s32 $0x9;
	_ =	strace $0x80000048  }
0xb3: {  	_ =	swait.ge [sflag:s29], $0x1  }
0xb4: {  	[sflag:s29] =	ssyncadd.s32 $0xFFFFFFFF  }
0xb5: {  	_ =	strace $0x90000048  }
0xb6: {  	_ =	sfence  }
0xb7: {  	s30 =	sld [smem:$0x0];
	_ =	sdelay $0x2  }
0xb8: {  	s31 =	sshll.u32 s1, $0xD;
	s1 =	sshrl.u32 s1, $0x2  }
0xb9: {  	s3 =	sand.u32 $0x4000, s31;
	s1 =	sadd.s32 s1, s30  }
0xba: {  	s0 =	sor.u32 s3, s0;
	s1 =	sshll.u32 s1, $0x11  }
0xbb: {  	s0 =	sor.u32 s1, s0  }
0xbc: {  	s0 =	sadd.s32 $0x8F2B, s0  }
0xbd: {  	[sflag:s0] =	ssyncadd.remote.s32 $0x1  }
0xbe: {  	_ =	sfence.sel $0xFFFF  }
0xbf: {  	[dreg:$0x0] =	wrdreg $0xFFFFFFFF;
	(pc) =	sbr.abs _section_cstart, $3  }
0xc0: {  	[dreg:$0x1] =	wrdreg $0xFFFFFFFF  }
0xc1: {  	_ =	task.clear_ibuf [dreg:s7], $0x2FFFF;
	_ =	strace $0x9FFFFFFF  }
0xc2: {  	(tm) =	ssettm $0x7FFFFFFF  }
0xc3: {  	_ =	shalt  }
tec
execute0_lowered:
.L_overlay_start_1:
0x0: {  	(tag) =	ssettag $0x1  }
0x1: {  	s1 =	srdreg.scid;
	s3 =	rddreg [dreg:$0x0]  }
0x2: {  	s0 =	stileid.u32;
	s4 =	rddreg [dreg:$0x1];
	s19 =	simm.s32 $0x900  }
0x3: {  	s20 =	simm.s32 $0x1100;
	s21 =	simm.s32 $0x1900;
	s23 =	simm.s32 $0x2100  }
0x4: {  	s24 =	simm.s32 $0x2900;
	s25 =	simm.s32 $0x3100;
	s26 =	simm.s32 $0x3900  }
0x5: {  	s8 =	simm.s32 $0x4900;
	s9 =	simm.s32 $0x5100;
	s10 =	simm.s32 $0x5900  }
0x6: {  	s11 =	simm.s32 $0x6100;
	s12 =	simm.s32 $0x6900;
	s13 =	simm.s32 $0x7100  }
0x7: {  	s14 =	simm.s32 $0x7900;
	s15 =	simm.s32 $0x8100;
	s16 =	simm.s32 $0x8900  }
0x8: {  	s17 =	simm.s32 $0x9100;
	s1 =	sand.u32 $0x1, s1;
	s2 =	sshll.u32 s0, $0x1  }
0x9: {  	s18 =	simm.s32 $0x9900;
	s5 =	sor.u32 s1, s2;
	s2 =	simm.s32 $0x0  }
0xa: {  	s28 =	simm.s32 $0xE100;
	s29 =	simm.s32 $0xE900;
	[smem:$0x7FF] =	sst s2  }
0xb: {  	s30 =	simm.s32 $0xF100;
	_ =	strace $0x80000047;
	[dreg:$0x5] =	wrdreg s19  }
0xc: {  	s31 =	simm.s32 $0xF900;
	s1 =	ssub.s32 $0x2, s1;
	[dreg:$0x6] =	wrdreg s20  }
0xd: {  	s6 =	sshll.u32 s5, $0x5;
	s5 =	sshll.u32 s5, $0xD;
	[dreg:$0x7] =	wrdreg s21  }
0xe: {  	s22 =	sshrl.u32 s1, $0x1;
	s6 =	sadd.s32 s6, s3;
	[dreg:$0x8] =	wrdreg s23  }
0xf: {  	s4 =	sadd.s32 s4, s5;
	s3 =	sadd.s32 $0x1000, s3;
	[dreg:$0x9] =	wrdreg s24  }
0x10: {  	s1 =	ssub.s32 s1, s22;
	s5 =	simm.s32 $0x2;
	[dreg:$0xa] =	wrdreg s25  }
0x11: {  	[dreg:$0xb] =	wrdreg s26;
	s19 =	simm.s32 $0xA100;
	s20 =	simm.s32 $0xA900  }
0x12: {  	s21 =	simm.s32 $0xB100;
	s22 =	simm.s32 $0xB900;
	s23 =	simm.s32 $0xC100  }
0x13: {  	v2 =	vlaneseq.u32;
	s24 =	simm.s32 $0xC900;
	s25 =	simm.s32 $0xD100;
	s26 =	simm.s32 $0xD900  }
0x14: {  	vm0 =	vmmov $0xffff;
	v1 =	vshrl.u32 v2, $0x3;
	s6 =	sadd.s32 $0xC00, s6;
	[dreg:$0x4] =	wrdreg s4;
	s4 =	smax.u32 s1, $0x1  }
0x15: {  	v0 =	vand.u32 $0x7, v2;
	v2 =	vor.u32 $0x8, v2;
	v1 =	vmul.u32 $0x8, v1;
	s1 =	simm.s32 $0x1;
	[dreg:$0x3] =	wrdreg s6;
	s6 =	simm.s32 $0x100  }
.LBB2_1:
0x16: {  	s0 =	rddreg [dreg:$0x3]  }
0x17: {  	[tilespmem:s2], [sflag:$0x2] =	stream.linear.gather [hbm4b:s0+s2], $0x100, $0x38;
	[tilespmem:$0x10100] =	vst v63  }
0x18: {  	_ =	swait.ge [sflag:s5], $0x100  }
0x19: {  	[sflag:s5] =	ssyncset.done $0x0  }
0x1a: {  	[sflag:s5] =	ssyncadd.s32 $0xFFFFFF00  }
0x1b: {  	v3 =	vld [tilespmem:$0x0];
	_ =	sdelay $0x4  }
0x1c: {  	v4 =	vshll.u32 v3, $0x1  }
0x1d: {  	v3 =	vand.u32 $0x7, v3;
	v4 =	vand.u32 $0xFFFFFFF0, v4  }
0x1e: {  	v3 =	vor.u32 v3, v4  }
0x1f: {  	v4 =	vperm.xlane v3, v0;
	_ =	sdelay $0x1  }
0x20: {  	v3 =	vperm.xlane v3, v2;
	v4 =	vadd.s32 v1, v4;
	_ =	sdelay $0x1  }
0x21: {  	v3 =	vadd.s32 v1, v3;
	_ =	sdelay $0x2  }
0x22: {  	[tilespmem:s6], [sflag:$0x1] =	stream.indirect_vreg.gather [hbm4b:s3+s2], $0x80, v4, vm0, $0xb8;
	[tilespmem:$0x10100] =	vst v63  }
0x23: {  	s7 =	rddreg [dreg:$0x5]  }
0x24: {  	[tilespmem:s7], [sflag:$0x1] =	stream.indirect_vreg.gather [hbm4b:s3+s2], $0x80, v3, vm0, $0xb8;
	[tilespmem:$0x10100] =	vst v63  }
0x25: {  	v3 =	vld [tilespmem:$0x10];
	_ =	sdelay $0x4  }
0x26: {  	v49 =	vshll.u32 v3, $0x1  }
0x27: {  	v3 =	vand.u32 $0x7, v3;
	v4 =	vand.u32 $0xFFFFFFF0, v49  }
0x28: {  	v3 =	vor.u32 v3, v4  }
0x29: {  	v4 =	vperm.xlane v3, v0;
	_ =	sdelay $0x1  }
0x2a: {  	v3 =	vperm.xlane v3, v2;
	v4 =	vadd.s32 v1, v4;
	_ =	sdelay $0x1  }
0x2b: {  	v3 =	vadd.s32 v1, v3;
	_ =	sdelay $0x1  }
0x2c: {  	s0 =	rddreg [dreg:$0x6]  }
0x2d: {  	[tilespmem:s0], [sflag:$0x1] =	stream.indirect_vreg.gather [hbm4b:s3+s2], $0x80, v4, vm0, $0xb8;
	[tilespmem:$0x10100] =	vst v63  }
0x2e: {  	s7 =	rddreg [dreg:$0x7]  }
0x2f: {  	[tilespmem:s7], [sflag:$0x1] =	stream.indirect_vreg.gather [hbm4b:s3+s2], $0x80, v3, vm0, $0xb8;
	[tilespmem:$0x10100] =	vst v63  }
0x30: {  	v3 =	vld [tilespmem:$0x20];
	_ =	sdelay $0x4  }
0x31: {  	v50 =	vshll.u32 v3, $0x1  }
0x32: {  	v3 =	vand.u32 $0x7, v3;
	v4 =	vand.u32 $0xFFFFFFF0, v50  }
0x33: {  	v3 =	vor.u32 v3, v4  }
0x34: {  	v4 =	vperm.xlane v3, v0;
	_ =	sdelay $0x1  }
0x35: {  	v3 =	vperm.xlane v3, v2;
	v4 =	vadd.s32 v1, v4;
	_ =	sdelay $0x1  }
0x36: {  	v3 =	vadd.s32 v1, v3;
	_ =	sdelay $0x1  }
0x37: {  	s0 =	rddreg [dreg:$0x8]  }
0x38: {  	[tilespmem:s0], [sflag:$0x1] =	stream.indirect_vreg.gather [hbm4b:s3+s2], $0x80, v4, vm0, $0xb8;
	[tilespmem:$0x10100] =	vst v63  }
0x39: {  	s7 =	rddreg [dreg:$0x9]  }
0x3a: {  	[tilespmem:s7], [sflag:$0x1] =	stream.indirect_vreg.gather [hbm4b:s3+s2], $0x80, v3, vm0, $0xb8;
	[tilespmem:$0x10100] =	vst v63  }
0x3b: {  	v3 =	vld [tilespmem:$0x30];
	_ =	sdelay $0x4  }
0x3c: {  	v51 =	vshll.u32 v3, $0x1  }
0x3d: {  	v3 =	vand.u32 $0x7, v3;
	v4 =	vand.u32 $0xFFFFFFF0, v51  }
0x3e: {  	v3 =	vor.u32 v3, v4  }
0x3f: {  	v4 =	vperm.xlane v3, v0;
	_ =	sdelay $0x1  }
0x40: {  	v3 =	vperm.xlane v3, v2;
	v4 =	vadd.s32 v1, v4;
	_ =	sdelay $0x1  }
0x41: {  	v3 =	vadd.s32 v1, v3;
	_ =	sdelay $0x1  }
0x42: {  	s0 =	rddreg [dreg:$0xa]  }
0x43: {  	[tilespmem:s0], [sflag:$0x1] =	stream.indirect_vreg.gather [hbm4b:s3+s2], $0x80, v4, vm0, $0xb8;
	[tilespmem:$0x10100] =	vst v63  }
0x44: {  	s7 =	rddreg [dreg:$0xb]  }
0x45: {  	[tilespmem:s7], [sflag:$0x1] =	stream.indirect_vreg.gather [hbm4b:s3+s2], $0x80, v3, vm0, $0xb8;
	[tilespmem:$0x10100] =	vst v63  }
0x46: {  	v3 =	vld [tilespmem:$0x40];
	_ =	sdelay $0x4  }
0x47: {  	v52 =	vshll.u32 v3, $0x1  }
0x48: {  	v3 =	vand.u32 $0x7, v3;
	v4 =	vand.u32 $0xFFFFFFF0, v52  }
0x49: {  	v3 =	vor.u32 v3, v4  }
0x4a: {  	v4 =	vperm.xlane v3, v0;
	_ =	sdelay $0x1  }
0x4b: {  	v3 =	vperm.xlane v3, v2;
	v4 =	vadd.s32 v1, v4;
	_ =	sdelay $0x1  }
0x4c: {  	v3 =	vadd.s32 v1, v3;
	_ =	sdelay $0x1  }
0x4d: {  	s7 =	simm.s32 $0x4100  }
0x4e: {  	[tilespmem:s7], [sflag:$0x1] =	stream.indirect_vreg.gather [hbm4b:s3+s2], $0x80, v4, vm0, $0xb8;
	[tilespmem:$0x10100] =	vst v63  }
0x4f: {  	_ = 	snop  }
0x50: {  	[tilespmem:s8], [sflag:$0x1] =	stream.indirect_vreg.gather [hbm4b:s3+s2], $0x80, v3, vm0, $0xb8;
	[tilespmem:$0x10100] =	vst v63  }
0x51: {  	v3 =	vld [tilespmem:$0x50];
	_ =	sdelay $0x4  }
0x52: {  	v53 =	vshll.u32 v3, $0x1  }
0x53: {  	v3 =	vand.u32 $0x7, v3;
	v4 =	vand.u32 $0xFFFFFFF0, v53  }
0x54: {  	v3 =	vor.u32 v3, v4  }
0x55: {  	v4 =	vperm.xlane v3, v0;
	_ =	sdelay $0x1  }
0x56: {  	v3 =	vperm.xlane v3, v2;
	v4 =	vadd.s32 v1, v4;
	_ =	sdelay $0x1  }
0x57: {  	v3 =	vadd.s32 v1, v3;
	_ =	sdelay $0x2  }
0x58: {  	[tilespmem:s9], [sflag:$0x1] =	stream.indirect_vreg.gather [hbm4b:s3+s2], $0x80, v4, vm0, $0xb8;
	[tilespmem:$0x10100] =	vst v63  }
0x59: {  	_ = 	snop  }
0x5a: {  	[tilespmem:s10], [sflag:$0x1] =	stream.indirect_vreg.gather [hbm4b:s3+s2], $0x80, v3, vm0, $0xb8;
	[tilespmem:$0x10100] =	vst v63  }
0x5b: {  	v3 =	vld [tilespmem:$0x60];
	_ =	sdelay $0x4  }
0x5c: {  	v54 =	vshll.u32 v3, $0x1  }
0x5d: {  	v3 =	vand.u32 $0x7, v3;
	v4 =	vand.u32 $0xFFFFFFF0, v54  }
0x5e: {  	v3 =	vor.u32 v3, v4  }
0x5f: {  	v4 =	vperm.xlane v3, v0;
	_ =	sdelay $0x1  }
0x60: {  	v3 =	vperm.xlane v3, v2;
	v4 =	vadd.s32 v1, v4;
	_ =	sdelay $0x1  }
0x61: {  	v3 =	vadd.s32 v1, v3;
	_ =	sdelay $0x2  }
0x62: {  	[tilespmem:s11], [sflag:$0x1] =	stream.indirect_vreg.gather [hbm4b:s3+s2], $0x80, v4, vm0, $0xb8;
	[tilespmem:$0x10100] =	vst v63  }
0x63: {  	_ = 	snop  }
0x64: {  	[tilespmem:s12], [sflag:$0x1] =	stream.indirect_vreg.gather [hbm4b:s3+s2], $0x80, v3, vm0, $0xb8;
	[tilespmem:$0x10100] =	vst v63  }
0x65: {  	v3 =	vld [tilespmem:$0x70];
	_ =	sdelay $0x4  }
0x66: {  	v55 =	vshll.u32 v3, $0x1  }
0x67: {  	v3 =	vand.u32 $0x7, v3;
	v4 =	vand.u32 $0xFFFFFFF0, v55  }
0x68: {  	v3 =	vor.u32 v3, v4  }
0x69: {  	v4 =	vperm.xlane v3, v0;
	_ =	sdelay $0x1  }
0x6a: {  	v3 =	vperm.xlane v3, v2;
	v4 =	vadd.s32 v1, v4;
	_ =	sdelay $0x1  }
0x6b: {  	v3 =	vadd.s32 v1, v3;
	_ =	sdelay $0x2  }
0x6c: {  	[tilespmem:s13], [sflag:$0x1] =	stream.indirect_vreg.gather [hbm4b:s3+s2], $0x80, v4, vm0, $0xb8;
	[tilespmem:$0x10100] =	vst v63  }
0x6d: {  	_ = 	snop  }
0x6e: {  	[tilespmem:s14], [sflag:$0x1] =	stream.indirect_vreg.gather [hbm4b:s3+s2], $0x80, v3, vm0, $0xb8;
	[tilespmem:$0x10100] =	vst v63  }
0x6f: {  	v3 =	vld [tilespmem:$0x80];
	_ =	sdelay $0x4  }
0x70: {  	v56 =	vshll.u32 v3, $0x1  }
0x71: {  	v3 =	vand.u32 $0x7, v3;
	v4 =	vand.u32 $0xFFFFFFF0, v56  }
0x72: {  	v3 =	vor.u32 v3, v4  }
0x73: {  	v4 =	vperm.xlane v3, v0;
	_ =	sdelay $0x1  }
0x74: {  	v3 =	vperm.xlane v3, v2;
	v4 =	vadd.s32 v1, v4;
	_ =	sdelay $0x1  }
0x75: {  	v3 =	vadd.s32 v1, v3;
	_ =	sdelay $0x2  }
0x76: {  	[tilespmem:s15], [sflag:$0x1] =	stream.indirect_vreg.gather [hbm4b:s3+s2], $0x80, v4, vm0, $0xb8;
	[tilespmem:$0x10100] =	vst v63  }
0x77: {  	_ = 	snop  }
0x78: {  	[tilespmem:s16], [sflag:$0x1] =	stream.indirect_vreg.gather [hbm4b:s3+s2], $0x80, v3, vm0, $0xb8;
	[tilespmem:$0x10100] =	vst v63  }
0x79: {  	v3 =	vld [tilespmem:$0x90];
	_ =	sdelay $0x4  }
0x7a: {  	v57 =	vshll.u32 v3, $0x1  }
0x7b: {  	v3 =	vand.u32 $0x7, v3;
	v4 =	vand.u32 $0xFFFFFFF0, v57  }
0x7c: {  	v3 =	vor.u32 v3, v4  }
0x7d: {  	v4 =	vperm.xlane v3, v0;
	_ =	sdelay $0x1  }
0x7e: {  	v3 =	vperm.xlane v3, v2;
	v4 =	vadd.s32 v1, v4;
	_ =	sdelay $0x1  }
0x7f: {  	v3 =	vadd.s32 v1, v3;
	_ =	sdelay $0x2  }
0x80: {  	[tilespmem:s17], [sflag:$0x1] =	stream.indirect_vreg.gather [hbm4b:s3+s2], $0x80, v4, vm0, $0xb8;
	[tilespmem:$0x10100] =	vst v63  }
0x81: {  	_ = 	snop  }
0x82: {  	[tilespmem:s18], [sflag:$0x1] =	stream.indirect_vreg.gather [hbm4b:s3+s2], $0x80, v3, vm0, $0xb8;
	[tilespmem:$0x10100] =	vst v63  }
0x83: {  	v3 =	vld [tilespmem:$0xA0];
	_ =	sdelay $0x4  }
0x84: {  	v58 =	vshll.u32 v3, $0x1  }
0x85: {  	v3 =	vand.u32 $0x7, v3;
	v4 =	vand.u32 $0xFFFFFFF0, v58  }
0x86: {  	v3 =	vor.u32 v3, v4  }
0x87: {  	v4 =	vperm.xlane v3, v0;
	_ =	sdelay $0x1  }
0x88: {  	v3 =	vperm.xlane v3, v2;
	v4 =	vadd.s32 v1, v4;
	_ =	sdelay $0x1  }
0x89: {  	v3 =	vadd.s32 v1, v3;
	_ =	sdelay $0x2  }
0x8a: {  	[tilespmem:s19], [sflag:$0x1] =	stream.indirect_vreg.gather [hbm4b:s3+s2], $0x80, v4, vm0, $0xb8;
	[tilespmem:$0x10100] =	vst v63  }
0x8b: {  	_ = 	snop  }
0x8c: {  	[tilespmem:s20], [sflag:$0x1] =	stream.indirect_vreg.gather [hbm4b:s3+s2], $0x80, v3, vm0, $0xb8;
	[tilespmem:$0x10100] =	vst v63  }
0x8d: {  	v3 =	vld [tilespmem:$0xB0];
	_ =	sdelay $0x4  }
0x8e: {  	v59 =	vshll.u32 v3, $0x1  }
0x8f: {  	v3 =	vand.u32 $0x7, v3;
	v4 =	vand.u32 $0xFFFFFFF0, v59  }
0x90: {  	v3 =	vor.u32 v3, v4  }
0x91: {  	v4 =	vperm.xlane v3, v0;
	_ =	sdelay $0x1  }
0x92: {  	v3 =	vperm.xlane v3, v2;
	v4 =	vadd.s32 v1, v4;
	_ =	sdelay $0x1  }
0x93: {  	v3 =	vadd.s32 v1, v3;
	_ =	sdelay $0x2  }
0x94: {  	[tilespmem:s21], [sflag:$0x1] =	stream.indirect_vreg.gather [hbm4b:s3+s2], $0x80, v4, vm0, $0xb8;
	[tilespmem:$0x10100] =	vst v63  }
0x95: {  	_ = 	snop  }
0x96: {  	[tilespmem:s22], [sflag:$0x1] =	stream.indirect_vreg.gather [hbm4b:s3+s2], $0x80, v3, vm0, $0xb8;
	[tilespmem:$0x10100] =	vst v63  }
0x97: {  	v3 =	vld [tilespmem:$0xC0];
	_ =	sdelay $0x4  }
0x98: {  	v60 =	vshll.u32 v3, $0x1  }
0x99: {  	v3 =	vand.u32 $0x7, v3;
	v4 =	vand.u32 $0xFFFFFFF0, v60  }
0x9a: {  	v3 =	vor.u32 v3, v4  }
0x9b: {  	v4 =	vperm.xlane v3, v0;
	_ =	sdelay $0x1  }
0x9c: {  	v3 =	vperm.xlane v3, v2;
	v4 =	vadd.s32 v1, v4;
	_ =	sdelay $0x1  }
0x9d: {  	v3 =	vadd.s32 v1, v3;
	_ =	sdelay $0x2  }
0x9e: {  	[tilespmem:s23], [sflag:$0x1] =	stream.indirect_vreg.gather [hbm4b:s3+s2], $0x80, v4, vm0, $0xb8;
	[tilespmem:$0x10100] =	vst v63  }
0x9f: {  	_ = 	snop  }
0xa0: {  	[tilespmem:s24], [sflag:$0x1] =	stream.indirect_vreg.gather [hbm4b:s3+s2], $0x80, v3, vm0, $0xb8;
	[tilespmem:$0x10100] =	vst v63  }
0xa1: {  	v3 =	vld [tilespmem:$0xD0];
	_ =	sdelay $0x4  }
0xa2: {  	v61 =	vshll.u32 v3, $0x1  }
0xa3: {  	v3 =	vand.u32 $0x7, v3;
	v4 =	vand.u32 $0xFFFFFFF0, v61  }
0xa4: {  	v3 =	vor.u32 v3, v4  }
0xa5: {  	v4 =	vperm.xlane v3, v0;
	_ =	sdelay $0x1  }
0xa6: {  	v3 =	vperm.xlane v3, v2;
	v4 =	vadd.s32 v1, v4;
	_ =	sdelay $0x1  }
0xa7: {  	v3 =	vadd.s32 v1, v3;
	_ =	sdelay $0x2  }
0xa8: {  	[tilespmem:s25], [sflag:$0x1] =	stream.indirect_vreg.gather [hbm4b:s3+s2], $0x80, v4, vm0, $0xb8;
	[tilespmem:$0x10100] =	vst v63  }
0xa9: {  	_ = 	snop  }
0xaa: {  	[tilespmem:s26], [sflag:$0x1] =	stream.indirect_vreg.gather [hbm4b:s3+s2], $0x80, v3, vm0, $0xb8;
	[tilespmem:$0x10100] =	vst v63  }
0xab: {  	v3 =	vld [tilespmem:$0xE0];
	_ =	sdelay $0x4  }
0xac: {  	v62 =	vshll.u32 v3, $0x1  }
0xad: {  	v3 =	vand.u32 $0x7, v3;
	v4 =	vand.u32 $0xFFFFFFF0, v62  }
0xae: {  	v3 =	vor.u32 v3, v4  }
0xaf: {  	v4 =	vperm.xlane v3, v0;
	_ =	sdelay $0x1  }
0xb0: {  	v3 =	vperm.xlane v3, v2;
	v4 =	vadd.s32 v1, v4;
	_ =	sdelay $0x1  }
0xb1: {  	v3 =	vadd.s32 v1, v3;
	_ =	sdelay $0x2  }
0xb2: {  	[tilespmem:s28], [sflag:$0x1] =	stream.indirect_vreg.gather [hbm4b:s3+s2], $0x80, v4, vm0, $0xb8;
	[tilespmem:$0x10100] =	vst v63  }
0xb3: {  	_ = 	snop  }
0xb4: {  	[tilespmem:s29], [sflag:$0x1] =	stream.indirect_vreg.gather [hbm4b:s3+s2], $0x80, v3, vm0, $0xb8;
	[tilespmem:$0x10100] =	vst v63  }
0xb5: {  	v3 =	vld [tilespmem:$0xF0];
	_ =	sdelay $0x4  }
0xb6: {  	v63 =	vshll.u32 v3, $0x1  }
0xb7: {  	v3 =	vand.u32 $0x7, v3;
	v4 =	vand.u32 $0xFFFFFFF0, v63  }
0xb8: {  	v3 =	vor.u32 v3, v4  }
0xb9: {  	v4 =	vperm.xlane v3, v0;
	_ =	sdelay $0x1  }
0xba: {  	v3 =	vperm.xlane v3, v2;
	v4 =	vadd.s32 v1, v4;
	_ =	sdelay $0x1  }
0xbb: {  	v3 =	vadd.s32 v1, v3;
	_ =	sdelay $0x2  }
0xbc: {  	[tilespmem:s30], [sflag:$0x1] =	stream.indirect_vreg.gather [hbm4b:s3+s2], $0x80, v4, vm0, $0xb8;
	[tilespmem:$0x10100] =	vst v63  }
0xbd: {  	_ = 	snop  }
0xbe: {  	[tilespmem:s31], [sflag:$0x1] =	stream.indirect_vreg.gather [hbm4b:s3+s2], $0x80, v3, vm0, $0xb8;
	[tilespmem:$0x10100] =	vst v63  }
0xbf: {  	_ =	swait.ge [sflag:s1], $0x8000  }
0xc0: {  	[sflag:s1] =	ssyncset.done $0x0  }
0xc1: {  	[sflag:s1] =	ssyncadd.s32 $0xFFFF8000  }
0xc2: {  	_ =	swait.ge [sflag:s1], $0x8000  }
0xc3: {  	p0 =	sne.s32 s4, $0x1;
	[sflag:s1] =	ssyncset.done $0x0  }
.Ltmp0:
0xc4: {  	s7 =	rddreg [dreg:$0x4];
	[sflag:s1] =	ssyncadd.s32 $0xFFFF8000;
	(pc) =	sbr.rel @p0 .LBB2_1-.Ltmp0, $4  }
0xc5: {  	[hbm4b:s7+s2] =	stream.linear.scatter [tilespmem:s6], [sflag:$0x2], $0x10000, $0x38;
	[tilespmem:$0x10100] =	vst v63  }
0xc6: {  	_ =	swait.ge [sflag:s5], $0x10000  }
0xc7: {  	[sflag:s5] =	ssyncset.done $0x0  }
0xc8: {  	s4 =	sadd.s32 $0xFFFFFFFF, s4;
	[sflag:s5] =	ssyncadd.s32 $0xFFFF0000  }
0xc9: {  	_ =	sfence.sel $0x180000  }
0xca: {  	[bflag:$0x0] =	sbarrier.arrive $0xFFFF  }
0xcb: {  	_ =	strace $0x90000047  }
0xcc: {  	s0 =	stileid.u32;
	[bflag:$0x2] =	sbarrier.arrive $0xFFFF  }
0xcd: {  	p0 =	sne.s32 s0, $0x0;
	s0 =	rddreg [dreg:$0x2]  }
0xce: {  	s0 =	sadd.s32 @!p0 $0x100000, s0  }
0xcf: {  	[sflag:s0] =	ssyncadd.tile.s32 @!p0 $0x1;
	_ =	shalt  }
.Lfunc_end2:
_tile_overlayer_lowered:
.L_overlay_start_2:
0xd0: {  	(tag) =	ssettag $0x2  }
0xd1: {  	s0 =	rddreg [dreg:$0x0];
	s2 =	stileid.u32  }
0xd2: {  	s1 =	rddreg [dreg:$0x1];
	p0 =	sne.s32 s2, $0x0  }
0xd3: {  	s3 =	rddreg [dreg:$0x2];
	[bflag:$0x3] =	sbarrier.arrive $0xFFFF;
	s2 =	simm.s32 @!p0 $0x1C02  }
0xd4: {  	[timem:s3], [sflag:s2] =	dma.local @!p0 [hbm:s0], s1  }
0xd5: {  	s0 =	simm.s32 @!p0 $0x2  }
0xd6: {  	_ =	swait.ge @!p0 [sflag:s0], s1  }
0xd7: {  	s1 =	ssub.s32 @!p0 $0x0, s1;
	[sflag:s0] =	ssyncset.done @!p0 $0x0  }
0xd8: {  	[sflag:s0] =	ssyncadd.s32 @!p0 s1  }
0xd9: {  	[bflag:$0x3] =	sbarrier.arrive $0xFFFF  }
0xda: {  	_ =	shalt  }

</sc_bundles>
